<compile_context>
chip_gen: v7x
topology: tpu7x:2x2x1
jax: 0.10.2.dev20260603
libtpu: 0.0.44.dev20260713+nightly
codegen_flags: <defaults>
</compile_context>

<pallas_src>
import functools

import jax
import jax.numpy as jnp
from jax import lax
from jax.experimental import pallas as pl
from jax.experimental.pallas import tpu as pltpu
from jax.experimental.pallas import tpu_sc as plsc

_K = 8192
_D = 256
_BLK = 256
_COMMITMENT = 1.0


def _argmax_body(x_ref, e_ref, ind_ref, loss_ref, esq_ref):
    i = pl.program_id(0)
    x = x_ref[...]
    e = e_ref[...]

    @pl.when(i == 0)
    def _():
        esq_ref[...] = jnp.sum(e * e, axis=1)[None, :]
        loss_ref[...] = jnp.zeros((1, 1), jnp.float32)

    mm = lax.dot_general(x, e, (((1,), (1,)), ((), ())),
                         preferred_element_type=jnp.float32)
    xsq = jnp.sum(x * x, axis=1, keepdims=True)
    dist = -(xsq - 2.0 * mm + esq_ref[...])
    ind_ref[0, 0, :] = jnp.argmax(dist, axis=-1).astype(jnp.int32)
    best = jnp.max(dist, axis=-1, keepdims=True)
    loss_ref[...] -= jnp.sum(best, axis=0, keepdims=True)


def _dist_argmax(x, embed):
    n = x.shape[0]
    nblk = n // _BLK
    return pl.pallas_call(
        _argmax_body,
        grid=(nblk,),
        in_specs=[
            pl.BlockSpec((_BLK, _D), lambda i: (i, 0)),
            pl.BlockSpec((_K, _D), lambda i: (0, 0)),
        ],
        out_specs=[
            pl.BlockSpec((1, 1, _BLK), lambda i: (i, 0, 0)),
            pl.BlockSpec((1, 1), lambda i: (0, 0)),
        ],
        out_shape=[
            jax.ShapeDtypeStruct((nblk, 1, _BLK), jnp.int32),
            jax.ShapeDtypeStruct((1, 1), jnp.float32),
        ],
        scratch_shapes=[pltpu.VMEM((1, _K), jnp.float32)],
    )(x, embed)


def _gather_hist(embed, ind, n):
    info = plsc.get_sparse_core_info()
    nc, ns = info.num_cores, info.num_subcores
    nw = nc * ns
    bpw = n // nw

    mesh = plsc.VectorSubcoreMesh(core_axis_name="c", subcore_axis_name="s")

    @functools.partial(
        pl.kernel, mesh=mesh,
        out_type=[
            jax.ShapeDtypeStruct((n, _D), jnp.float32),
            jax.ShapeDtypeStruct((nc, _K), jnp.float32),
        ],
        scratch_types=[
            pltpu.VMEM((bpw,), jnp.int32),
            pltpu.VMEM((bpw, _D), jnp.float32),
            pltpu.VMEM((bpw,), jnp.float32),
            pltpu.VMEM((_K,), jnp.float32),
            pltpu.VMEM_SHARED((_K,), jnp.float32),
            pltpu.SemaphoreType.DMA,
        ],
    )
    def sc_body(embed_hbm, ind_hbm, quant_hbm, hist_hbm,
                idx_v, rows_v, ones_v, zero_v, hist_sh, sem):
        cid = lax.axis_index("c")
        sid = lax.axis_index("s")
        wid = sid * nc + cid
        base = wid * bpw
        pltpu.sync_copy(ind_hbm.at[pl.ds(base, bpw)], idx_v)
        pltpu.async_copy(embed_hbm.at[idx_v], rows_v, sem).wait()
        pltpu.sync_copy(rows_v, quant_hbm.at[pl.ds(base, bpw)])

        def fill(j, _):
            ones_v[pl.ds(j * 16, 16)] = jnp.ones((16,), jnp.float32)
            return _
        lax.fori_loop(0, bpw // 16, fill, 0)

        @pl.when(sid == 0)
        def _():
            def zero(j, _):
                zero_v[pl.ds(j * 16, 16)] = jnp.zeros((16,), jnp.float32)
                return _
            lax.fori_loop(0, _K // 16, zero, 0)
            pltpu.sync_copy(zero_v, hist_sh)

        plsc.subcore_barrier()
        pltpu.sync_copy(ones_v, hist_sh.at[idx_v], add=True)
        plsc.subcore_barrier()

        @pl.when(sid == 0)
        def _():
            pltpu.sync_copy(hist_sh, hist_hbm.at[cid])

    return sc_body(embed, ind)


def _finisher(hist_parts, loss_sum, n):
    inv_n = 1.0 / float(n)
    scale = _COMMITMENT / float(n * _D)

    def body(h_ref, l_ref, num_ref, closs_ref, perp_ref):
        h = jnp.sum(h_ref[...], axis=0, keepdims=True)
        num_ref[...] = h
        p = h * inv_n
        ent = jnp.sum(p * jnp.log(p + 1e-10), axis=1, keepdims=True)
        perp_ref[...] = jnp.exp(-ent)
        closs_ref[...] = l_ref[...] * scale

    nw = hist_parts.shape[0]
    return pl.pallas_call(
        body,
        in_specs=[
            pl.BlockSpec((nw, _K), lambda: (0, 0)),
            pl.BlockSpec((1, 1), lambda: (0, 0)),
        ],
        out_specs=[
            pl.BlockSpec((1, _K), lambda: (0, 0)),
            pl.BlockSpec((1, 1), lambda: (0, 0)),
            pl.BlockSpec((1, 1), lambda: (0, 0)),
        ],
        out_shape=[
            jax.ShapeDtypeStruct((1, _K), jnp.float32),
            jax.ShapeDtypeStruct((1, 1), jnp.float32),
            jax.ShapeDtypeStruct((1, 1), jnp.float32),
        ],
    )(hist_parts, loss_sum)


def kernel(input, embed):
    shape = input.shape
    x = input.reshape(-1, shape[-1])
    n = x.shape[0]

    ind3, loss_sum = _dist_argmax(x, embed)
    ind = ind3.reshape(n)
    quant_flat, hist_parts = _gather_hist(embed, ind, n)
    num2, closs, perp = _finisher(hist_parts, loss_sum, n)

    return (quant_flat.reshape(shape),
            num2.reshape(_K),
            closs.reshape(()),
            perp.reshape(()))

# --- scband reference (transcript-rebuilt; emitter-appended) ---
"""Pipeline reference for scband-vector-quantize-25589415149648 (READ-ONLY COPY).

The authoritative reference and input builder live on the scoring server;
editing this copy changes nothing except your own understanding.
"""

import jax, jax.numpy as jnp
import numpy as np

CODEBOOK_SIZE = 8192
DIM = 256
COMMITMENT = 1.0


def setup_inputs(seed: int = 0) -> dict:
    key = jax.random.key(seed)
    k1, k2 = jax.random.split(key)
    x = jax.random.normal(k1, (8, 1024, 256), dtype=jnp.float32)
    # embed buffer (kmeans_init=False -> kaiming uniform init); use scaled normal
    embed = jax.random.normal(k2, (CODEBOOK_SIZE, DIM), dtype=jnp.float32) * 0.05
    return {"input": x, "embed": embed}


def reference(input, embed):
    shape = input.shape
    dtype = input.dtype
    # preprocess: flatten all but last dim
    x = input.reshape(-1, shape[-1])
    # quantize: negative squared euclidean distance, argmax
    embed_t = embed.T
    dist = -(jnp.sum(x ** 2, axis=1, keepdims=True)
             - 2.0 * (x @ embed_t)
             + jnp.sum(embed_t ** 2, axis=0, keepdims=True))
    embed_ind_flat = jnp.argmax(dist, axis=-1)
    embed_onehot = jax.nn.one_hot(embed_ind_flat, CODEBOOK_SIZE, dtype=dtype)
    # postprocess_emb
    embed_ind = embed_ind_flat.reshape(shape[:-1])
    # dequantize (embedding lookup / gather)
    quantize = jnp.take(embed, embed_ind, axis=0)
    # straight-through estimator
    quantize = input + jax.lax.stop_gradient(quantize - input)
    commit_loss = jnp.mean((jax.lax.stop_gradient(quantize) - input) ** 2) * COMMITMENT
    avg_probs = jnp.mean(embed_onehot, axis=0)
    perplexity = jnp.exp(-jnp.sum(avg_probs * jnp.log(avg_probs + 1e-10)))
    embed_num = jnp.sum(embed_onehot, axis=0)
    return (quantize, embed_num, commit_loss, perplexity)

if __name__ == "__main__":
    import jax
    _d = setup_inputs()
    print(jax.jit(kernel)(*tuple(_d.values())))

</pallas_src>

<mosaic_0001>
#map = affine_map<(d0, d1) -> (0, 0)>
#map1 = affine_map<(d0, d1) -> (0)>
module attributes {stable_mosaic.version = 14 : i64} {
  func.func @sc_body(%arg0: i32, %arg1: i32, %arg2: memref<8192x256xf32, #tpu.memory_space<hbm>>, %arg3: memref<8192xi32, #tpu.memory_space<hbm>>, %arg4: memref<8192x256xf32, #tpu.memory_space<hbm>>, %arg5: memref<2x8192xf32, #tpu.memory_space<hbm>>, %arg6: memref<256xi32, #tpu.memory_space<vmem>>, %arg7: memref<256x256xf32, #tpu.memory_space<vmem>>, %arg8: memref<256xf32, #tpu.memory_space<vmem>>, %arg9: memref<8192xf32, #tpu.memory_space<vmem>>, %arg10: memref<8192xf32, #tpu.memory_space<vmem_shared>>, %arg11: memref<!tpu.dma_semaphore, #tpu.memory_space<semaphore_mem>>) attributes {dimension_semantics = [#tpu.dimension_semantics<core_parallel>, #tpu.dimension_semantics<subcore_parallel>], iteration_bounds = array<i64: 2, 16>, scalar_prefetch = 0 : i64, scratch_operands = 6 : i64, tpu.core_type = #tpu.core_type<sc_vector_subcore>, window_params = [{transform_indices = #map}, {transform_indices = #map1}, {transform_indices = #map}, {transform_indices = #map}]} {
    %mul3A = arith.constant 2 : i32
    %mul3A_0 = arith.muli %arg1, %mul3A : i32
    %add3A = arith.addi %mul3A_0, %arg0 : i32
    %mul3A_1 = arith.constant 256 : i32
    %mul3A_2 = arith.muli %add3A, %mul3A_1 : i32
    "tpu.region"() ({
      %run_scoped3A = tpu.sem_alloc : memref<!tpu.dma_semaphore, #tpu.memory_space<semaphore_mem>>
      %dma_start3A_20 = tpu.memref_slice %arg3[%mul3A_2] : memref<8192xi32, #tpu.memory_space<hbm>> -> memref<256xi32, #tpu.memory_space<hbm>>
      %dma_start3A_21 = tpu.memref_slice %arg3[%mul3A_2] : memref<8192xi32, #tpu.memory_space<hbm>> -> memref<256xi32, #tpu.memory_space<hbm>>
      tpu.enqueue_dma source(%dma_start3A_21 : memref<256xi32, #tpu.memory_space<hbm>>) target(%arg6 : memref<256xi32, #tpu.memory_space<vmem>>) target_semaphore(%run_scoped3A : memref<!tpu.dma_semaphore, #tpu.memory_space<semaphore_mem>>)
      %dma_wait3A_22 = tpu.memref_slice %arg3[%mul3A_2] : memref<8192xi32, #tpu.memory_space<hbm>> -> memref<256xi32, #tpu.memory_space<hbm>>
      %dma_wait3A_23 = tpu.memref_slice %arg3[%mul3A_2] : memref<8192xi32, #tpu.memory_space<hbm>> -> memref<256xi32, #tpu.memory_space<hbm>>
      tpu.wait_dma2 semaphore(%run_scoped3A : memref<!tpu.dma_semaphore, #tpu.memory_space<semaphore_mem>>) src(%dma_wait3A_23 : memref<256xi32, #tpu.memory_space<hbm>>) dst(%arg6 : memref<256xi32, #tpu.memory_space<vmem>>)
      tpu.yield
    }) : () -> ()
    %dma_start3A = arith.constant 0 : i32
    %dma_start3A_3 = arith.constant 0 : i32
    %dma_start3A_4 = tpu.memref_slice %arg2[%dma_start3A, %dma_start3A_3] : memref<8192x256xf32, #tpu.memory_space<hbm>> -> memref<8192x256xf32, #tpu.memory_space<hbm>>
    tpu.enqueue_indirect_dma source(%dma_start3A_4 : memref<8192x256xf32, #tpu.memory_space<hbm>>) target(%arg7 : memref<256x256xf32, #tpu.memory_space<vmem>>) offsets(%arg6 : memref<256xi32, #tpu.memory_space<vmem>>) semaphore(%arg11 : memref<!tpu.dma_semaphore, #tpu.memory_space<semaphore_mem>>)
    %dma_wait3A = arith.constant 0 : i32
    %dma_wait3A_5 = arith.constant 0 : i32
    %dma_wait3A_6 = tpu.memref_slice %arg2[%dma_wait3A, %dma_wait3A_5] : memref<8192x256xf32, #tpu.memory_space<hbm>> -> memref<8192x256xf32, #tpu.memory_space<hbm>>
    tpu.wait_indirect_dma semaphore(%arg11 : memref<!tpu.dma_semaphore, #tpu.memory_space<semaphore_mem>>) src(%dma_wait3A_6 : memref<8192x256xf32, #tpu.memory_space<hbm>>) dst(%arg7 : memref<256x256xf32, #tpu.memory_space<vmem>>)
    "tpu.region"() ({
      %run_scoped3A = tpu.sem_alloc : memref<!tpu.dma_semaphore, #tpu.memory_space<semaphore_mem>>
      %dma_start3A_20 = arith.constant 0 : i32
      %dma_start3A_21 = tpu.memref_slice %arg4[%mul3A_2, %dma_start3A_20] : memref<8192x256xf32, #tpu.memory_space<hbm>> -> memref<256x256xf32, #tpu.memory_space<hbm>>
      %dma_start3A_22 = arith.constant 0 : i32
      %dma_start3A_23 = tpu.memref_slice %arg4[%mul3A_2, %dma_start3A_22] : memref<8192x256xf32, #tpu.memory_space<hbm>> -> memref<256x256xf32, #tpu.memory_space<hbm>>
      tpu.enqueue_dma source(%arg7 : memref<256x256xf32, #tpu.memory_space<vmem>>) target(%dma_start3A_23 : memref<256x256xf32, #tpu.memory_space<hbm>>) target_semaphore(%run_scoped3A : memref<!tpu.dma_semaphore, #tpu.memory_space<semaphore_mem>>)
      %dma_wait3A_24 = arith.constant 0 : i32
      %dma_wait3A_25 = tpu.memref_slice %arg4[%mul3A_2, %dma_wait3A_24] : memref<8192x256xf32, #tpu.memory_space<hbm>> -> memref<256x256xf32, #tpu.memory_space<hbm>>
      %dma_wait3A_26 = arith.constant 0 : i32
      %dma_wait3A_27 = tpu.memref_slice %arg4[%mul3A_2, %dma_wait3A_26] : memref<8192x256xf32, #tpu.memory_space<hbm>> -> memref<256x256xf32, #tpu.memory_space<hbm>>
      tpu.wait_dma2 semaphore(%run_scoped3A : memref<!tpu.dma_semaphore, #tpu.memory_space<semaphore_mem>>) src(%arg7 : memref<256x256xf32, #tpu.memory_space<vmem>>) dst(%dma_wait3A_27 : memref<256x256xf32, #tpu.memory_space<hbm>>)
      tpu.yield
    }) : () -> ()
    %scan3A = arith.constant 0 : i32
    %scan3A_7 = arith.constant 0 : i32
    %scan3A_8 = arith.constant 16 : i32
    %scan3A_9 = arith.addi %scan3A_7, %scan3A_8 : i32
    %scan3A_10 = arith.constant 1 : i32
    scf.for %scan3A_20 = %scan3A_7 to %scan3A_9 step %scan3A_10  : i32 {
      %broadcast_in_dim3A = arith.constant 1.000000e+00 : f32
      %broadcast_in_dim3A_21 = vector.broadcast %broadcast_in_dim3A : f32 to vector<16xf32>
      %mul3A_22 = arith.constant 16 : i32
      %mul3A_23 = arith.muli %scan3A_20, %mul3A_22 : i32
      %swap3A = arith.index_cast %mul3A_23 : i32 to index
      %swap3A_24 = tpu.vector_load %arg8[%swap3A] {strides = array<i32>} : memref<256xf32, #tpu.memory_space<vmem>>, vector<16xf32>,
      %swap3A_25 = vector.shape_cast %swap3A_24 : vector<16xf32> to vector<16xf32>
      %swap3A_26 = vector.shape_cast %broadcast_in_dim3A_21 : vector<16xf32> to vector<16xf32>
      tpu.vector_store %arg8[%swap3A], %swap3A_26 {strides = array<i32>} : memref<256xf32, #tpu.memory_space<vmem>>, vector<16xf32>,
    }
    %scan3A_11 = arith.constant 16 : i32
    %eq3A = arith.constant 0 : i32
    %eq3A_12 = arith.cmpi eq, %arg1, %eq3A : i32
    %convert_element_type3A = arith.extui %eq3A_12 : i1 to i32
    %cond3A = arith.constant 0 : i32
    %cond3A_13 = arith.cmpi ne, %convert_element_type3A, %cond3A : i32
    scf.if %cond3A_13 {
      %scan3A_20 = arith.constant 0 : i32
      %scan3A_21 = arith.constant 0 : i32
      %scan3A_22 = arith.constant 512 : i32
      %scan3A_23 = arith.addi %scan3A_21, %scan3A_22 : i32
      %scan3A_24 = arith.constant 1 : i32
      scf.for %scan3A_26 = %scan3A_21 to %scan3A_23 step %scan3A_24  : i32 {
        %broadcast_in_dim3A = arith.constant 0.000000e+00 : f32
        %broadcast_in_dim3A_27 = vector.broadcast %broadcast_in_dim3A : f32 to vector<16xf32>
        %mul3A_28 = arith.constant 16 : i32
        %mul3A_29 = arith.muli %scan3A_26, %mul3A_28 : i32
        %swap3A = arith.index_cast %mul3A_29 : i32 to index
        %swap3A_30 = tpu.vector_load %arg9[%swap3A] {strides = array<i32>} : memref<8192xf32, #tpu.memory_space<vmem>>, vector<16xf32>,
        %swap3A_31 = vector.shape_cast %swap3A_30 : vector<16xf32> to vector<16xf32>
        %swap3A_32 = vector.shape_cast %broadcast_in_dim3A_27 : vector<16xf32> to vector<16xf32>
        tpu.vector_store %arg9[%swap3A], %swap3A_32 {strides = array<i32>} : memref<8192xf32, #tpu.memory_space<vmem>>, vector<16xf32>,
      }
      %scan3A_25 = arith.constant 512 : i32
      "tpu.region"() ({
        %run_scoped3A = tpu.sem_alloc : memref<!tpu.dma_semaphore, #tpu.memory_space<semaphore_mem>>
        tpu.enqueue_dma source(%arg9 : memref<8192xf32, #tpu.memory_space<vmem>>) target(%arg10 : memref<8192xf32, #tpu.memory_space<vmem_shared>>) target_semaphore(%run_scoped3A : memref<!tpu.dma_semaphore, #tpu.memory_space<semaphore_mem>>)
        tpu.wait_dma2 semaphore(%run_scoped3A : memref<!tpu.dma_semaphore, #tpu.memory_space<semaphore_mem>>) src(%arg9 : memref<8192xf32, #tpu.memory_space<vmem>>) dst(%arg10 : memref<8192xf32, #tpu.memory_space<vmem_shared>>)
        tpu.yield
      }) : () -> ()
    } else {
    }
    %barrier3A = arith.constant 0 : index
    tpu.barrier barrier_id(%barrier3A)
    "tpu.region"() ({
      %run_scoped3A = tpu.sem_alloc : memref<!tpu.dma_semaphore, #tpu.memory_space<semaphore_mem>>
      %dma_start3A_20 = arith.constant 0 : i32
      %dma_start3A_21 = tpu.memref_slice %arg10[%dma_start3A_20] : memref<8192xf32, #tpu.memory_space<vmem_shared>> -> memref<8192xf32, #tpu.memory_space<vmem_shared>>
      tpu.enqueue_indirect_dma source(%arg8 : memref<256xf32, #tpu.memory_space<vmem>>) target(%dma_start3A_21 : memref<8192xf32, #tpu.memory_space<vmem_shared>>) offsets(%arg6 : memref<256xi32, #tpu.memory_space<vmem>>) semaphore(%run_scoped3A : memref<!tpu.dma_semaphore, #tpu.memory_space<semaphore_mem>>) {add = true}
      %dma_wait3A_22 = arith.constant 0 : i32
      %dma_wait3A_23 = tpu.memref_slice %arg10[%dma_wait3A_22] : memref<8192xf32, #tpu.memory_space<vmem_shared>> -> memref<8192xf32, #tpu.memory_space<vmem_shared>>
      tpu.wait_indirect_dma semaphore(%run_scoped3A : memref<!tpu.dma_semaphore, #tpu.memory_space<semaphore_mem>>) src(%arg8 : memref<256xf32, #tpu.memory_space<vmem>>) dst(%dma_wait3A_23 : memref<8192xf32, #tpu.memory_space<vmem_shared>>)
      tpu.yield
    }) : () -> ()
    %barrier3A_14 = arith.constant 0 : index
    tpu.barrier barrier_id(%barrier3A_14)
    %eq3A_15 = arith.constant 0 : i32
    %eq3A_16 = arith.cmpi eq, %arg1, %eq3A_15 : i32
    %convert_element_type3A_17 = arith.extui %eq3A_16 : i1 to i32
    %cond3A_18 = arith.constant 0 : i32
    %cond3A_19 = arith.cmpi ne, %convert_element_type3A_17, %cond3A_18 : i32
    scf.if %cond3A_19 {
      "tpu.region"() ({
        %run_scoped3A = tpu.sem_alloc : memref<!tpu.dma_semaphore, #tpu.memory_space<semaphore_mem>>
        %dma_start3A_20 = arith.constant 0 : i32
        %dma_start3A_21 = tpu.memref_slice %arg5[%arg0, %dma_start3A_20] : memref<2x8192xf32, #tpu.memory_space<hbm>> -> memref<1x8192xf32, #tpu.memory_space<hbm>>
        %dma_start3A_22 = tpu.memref_squeeze %dma_start3A_21 : memref<1x8192xf32, #tpu.memory_space<hbm>> -> memref<8192xf32, #tpu.memory_space<hbm>>
        tpu.enqueue_dma source(%arg10 : memref<8192xf32, #tpu.memory_space<vmem_shared>>) target(%dma_start3A_22 : memref<8192xf32, #tpu.memory_space<hbm>>) target_semaphore(%run_scoped3A : memref<!tpu.dma_semaphore, #tpu.memory_space<semaphore_mem>>)
        %dma_wait3A_23 = arith.constant 0 : i32
        %dma_wait3A_24 = tpu.memref_slice %arg5[%arg0, %dma_wait3A_23] : memref<2x8192xf32, #tpu.memory_space<hbm>> -> memref<1x8192xf32, #tpu.memory_space<hbm>>
        %dma_wait3A_25 = tpu.memref_squeeze %dma_wait3A_24 : memref<1x8192xf32, #tpu.memory_space<hbm>> -> memref<8192xf32, #tpu.memory_space<hbm>>
        tpu.wait_dma2 semaphore(%run_scoped3A : memref<!tpu.dma_semaphore, #tpu.memory_space<semaphore_mem>>) src(%arg10 : memref<8192xf32, #tpu.memory_space<vmem_shared>>) dst(%dma_wait3A_25 : memref<8192xf32, #tpu.memory_space<hbm>>)
        tpu.yield
      }) : () -> ()
    } else {
    }
    return
  }
}

module attributes {stable_mosaic.version = 14 : i64} {
  func.func @body(%arg0: memref<2x8192xf32, #tpu.memory_space<vmem>>, %arg1: memref<1x1xf32, #tpu.memory_space<vmem>>, %arg2: memref<1x8192xf32, #tpu.memory_space<vmem>>, %arg3: memref<1x1xf32, #tpu.memory_space<vmem>>, %arg4: memref<1x1xf32, #tpu.memory_space<vmem>>) attributes {dimension_semantics = [], scalar_prefetch = 0 : i64, scratch_operands = 0 : i64, tpu.core_type = #tpu.core_type<tc>} {
    %get3A = arith.constant 0 : index
    %get3A_0 = arith.constant 0 : index
    %get3A_1 = vector.load %arg0[%get3A, %get3A_0] : memref<2x8192xf32, #tpu.memory_space<vmem>>, vector<2x8192xf32>
    %reduce_sum3A = arith.constant dense<0.000000e+00> : vector<8192xf32>
    %reduce_sum3A_2 = vector.multi_reduction <add>, %get3A_1, %reduce_sum3A [0] : vector<2x8192xf32> to vector<8192xf32>
    %broadcast_in_dim3A = vector.shape_cast %reduce_sum3A_2 : vector<8192xf32> to vector<1x8192xf32>
    %swap3A = arith.constant 0 : index
    %swap3A_3 = arith.constant 0 : index
    %swap3A_4 = vector.load %arg2[%swap3A, %swap3A_3] : memref<1x8192xf32, #tpu.memory_space<vmem>>, vector<1x8192xf32>
    tpu.vector_store %arg2[%swap3A, %swap3A_3], %broadcast_in_dim3A {strides = array<i32>} : memref<1x8192xf32, #tpu.memory_space<vmem>>, vector<1x8192xf32>,
    %mul3A = arith.constant 1.22070313E-4 : f32
    %mul3A_5 = vector.broadcast %mul3A : f32 to vector<1x8192xf32>
    %mul3A_6 = arith.mulf %broadcast_in_dim3A, %mul3A_5 : vector<1x8192xf32>
    %add3A = arith.constant 1.000000e-10 : f32
    %add3A_7 = vector.broadcast %add3A : f32 to vector<1x8192xf32>
    %add3A_8 = arith.addf %mul3A_6, %add3A_7 : vector<1x8192xf32>
    %log3A = math.log %add3A_8 : vector<1x8192xf32>
    %mul3A_9 = arith.mulf %mul3A_6, %log3A : vector<1x8192xf32>
    %reduce_sum3A_10 = arith.constant dense<0.000000e+00> : vector<1xf32>
    %reduce_sum3A_11 = vector.multi_reduction <add>, %mul3A_9, %reduce_sum3A_10 [1] : vector<1x8192xf32> to vector<1xf32>
    %broadcast_in_dim3A_12 = vector.shape_cast %reduce_sum3A_11 : vector<1xf32> to vector<1x1xf32>
    %neg3A = arith.constant 0.000000e+00 : f32
    %neg3A_13 = vector.broadcast %neg3A : f32 to vector<1x1xf32>
    %neg3A_14 = arith.subf %neg3A_13, %broadcast_in_dim3A_12 : vector<1x1xf32>
    %exp3A = math.exp %neg3A_14 : vector<1x1xf32>
    %swap3A_15 = arith.constant 0 : index
    %swap3A_16 = arith.constant 0 : index
    %swap3A_17 = vector.load %arg4[%swap3A_15, %swap3A_16] : memref<1x1xf32, #tpu.memory_space<vmem>>, vector<1x1xf32>
    tpu.vector_store %arg4[%swap3A_15, %swap3A_16], %exp3A {strides = array<i32>} : memref<1x1xf32, #tpu.memory_space<vmem>>, vector<1x1xf32>,
    %get3A_18 = arith.constant 0 : index
    %get3A_19 = arith.constant 0 : index
    %get3A_20 = vector.load %arg1[%get3A_18, %get3A_19] : memref<1x1xf32, #tpu.memory_space<vmem>>, vector<1x1xf32>
    %mul3A_21 = arith.constant 4.76837158E-7 : f32
    %mul3A_22 = vector.broadcast %mul3A_21 : f32 to vector<1x1xf32>
    %mul3A_23 = arith.mulf %get3A_20, %mul3A_22 : vector<1x1xf32>
    %swap3A_24 = arith.constant 0 : index
    %swap3A_25 = arith.constant 0 : index
    %swap3A_26 = vector.load %arg3[%swap3A_24, %swap3A_25] : memref<1x1xf32, #tpu.memory_space<vmem>>, vector<1x1xf32>
    tpu.vector_store %arg3[%swap3A_24, %swap3A_25], %mul3A_23 {strides = array<i32>} : memref<1x1xf32, #tpu.memory_space<vmem>>, vector<1x1xf32>,
    return
  }
}

module attributes {stable_mosaic.version = 14 : i64} {
  func.func @_argmax_body(%arg0: i32, %arg1: memref<256x256xf32, #tpu.memory_space<vmem>>, %arg2: memref<8192x256xf32, #tpu.memory_space<vmem>>, %arg3: memref<1x1x256xi32, #tpu.memory_space<vmem>>, %arg4: memref<1x1xf32, #tpu.memory_space<vmem>>, %arg5: memref<1x8192xf32, #tpu.memory_space<vmem>>) attributes {dimension_semantics = [#tpu.dimension_semantics<arbitrary>], iteration_bounds = array<i64: 32>, scalar_prefetch = 0 : i64, scratch_operands = 1 : i64, tpu.core_type = #tpu.core_type<tc>, window_params = [{transform_indices = @transform_0, window_bounds = array<i64: 256, 256>}, {pipeline_mode = #tpu.pipeline_mode<synchronous>, transform_indices = @transform_1, window_bounds = array<i64: 8192, 256>}, {transform_indices = @transform_2, window_bounds = array<i64: 1, 1, 256>}, {pipeline_mode = #tpu.pipeline_mode<synchronous>, transform_indices = @transform_3, window_bounds = array<i64: 1, 1>}]} {
    %get3A = arith.constant 0 : index
    %get3A_0 = arith.constant 0 : index
    %get3A_1 = vector.load %arg1[%get3A, %get3A_0] : memref<256x256xf32, #tpu.memory_space<vmem>>, vector<256x256xf32>
    %get3A_2 = arith.constant 0 : index
    %get3A_3 = arith.constant 0 : index
    %get3A_4 = vector.load %arg2[%get3A_2, %get3A_3] : memref<8192x256xf32, #tpu.memory_space<vmem>>, vector<8192x256xf32>
    %eq3A = arith.constant 0 : i32
    %eq3A_5 = arith.cmpi eq, %arg0, %eq3A : i32
    %convert_element_type3A = arith.extui %eq3A_5 : i1 to i32
    %cond3A = arith.constant 0 : i32
    %cond3A_6 = arith.cmpi ne, %convert_element_type3A, %cond3A : i32
    scf.if %cond3A_6 {
      %mul3A_36 = arith.mulf %get3A_4, %get3A_4 : vector<8192x256xf32>
      %reduce_sum3A_37 = arith.constant dense<0.000000e+00> : vector<8192xf32>
      %reduce_sum3A_38 = vector.multi_reduction <add>, %mul3A_36, %reduce_sum3A_37 [1] : vector<8192x256xf32> to vector<8192xf32>
      %broadcast_in_dim3A_39 = vector.shape_cast %reduce_sum3A_38 : vector<8192xf32> to vector<1x8192xf32>
      %swap3A_40 = arith.constant 0 : index
      %swap3A_41 = arith.constant 0 : index
      %swap3A_42 = vector.load %arg5[%swap3A_40, %swap3A_41] : memref<1x8192xf32, #tpu.memory_space<vmem>>, vector<1x8192xf32>
      tpu.vector_store %arg5[%swap3A_40, %swap3A_41], %broadcast_in_dim3A_39 {strides = array<i32>} : memref<1x8192xf32, #tpu.memory_space<vmem>>, vector<1x8192xf32>,
      %broadcast_in_dim3A_43 = arith.constant 0.000000e+00 : f32
      %broadcast_in_dim3A_44 = vector.broadcast %broadcast_in_dim3A_43 : f32 to vector<1x1xf32>
      %swap3A_45 = arith.constant 0 : index
      %swap3A_46 = arith.constant 0 : index
      %swap3A_47 = vector.load %arg4[%swap3A_45, %swap3A_46] : memref<1x1xf32, #tpu.memory_space<vmem>>, vector<1x1xf32>
      tpu.vector_store %arg4[%swap3A_45, %swap3A_46], %broadcast_in_dim3A_44 {strides = array<i32>} : memref<1x1xf32, #tpu.memory_space<vmem>>, vector<1x1xf32>,
    } else {
    }
    %dot_general3A = arith.constant dense<0.000000e+00> : vector<256x8192xf32>
    %dot_general3A_7 = tpu.matmul %get3A_1, %get3A_4, %dot_general3A {dimension_numbers = #tpu.dot_dimension_numbers<[1], [1], [0], [0], [0, 0, 1, 0], [], []>, transpose_lhs_hint = false} : vector<256x256xf32>, vector<8192x256xf32>, vector<256x8192xf32> -> vector<256x8192xf32>
    %mul3A = arith.mulf %get3A_1, %get3A_1 : vector<256x256xf32>
    %reduce_sum3A = arith.constant dense<0.000000e+00> : vector<256xf32>
    %reduce_sum3A_8 = vector.multi_reduction <add>, %mul3A, %reduce_sum3A [1] : vector<256x256xf32> to vector<256xf32>
    %broadcast_in_dim3A = vector.shape_cast %reduce_sum3A_8 : vector<256xf32> to vector<256x1xf32>
    %mul3A_9 = arith.constant 2.000000e+00 : f32
    %mul3A_10 = vector.broadcast %mul3A_9 : f32 to vector<256x8192xf32>
    %mul3A_11 = arith.mulf %mul3A_10, %dot_general3A_7 : vector<256x8192xf32>
    %sub3A = vector.broadcast %broadcast_in_dim3A : vector<256x1xf32> to vector<256x8192xf32>
    %sub3A_12 = arith.subf %sub3A, %mul3A_11 : vector<256x8192xf32>
    %get3A_13 = arith.constant 0 : index
    %get3A_14 = arith.constant 0 : index
    %get3A_15 = vector.load %arg5[%get3A_13, %get3A_14] : memref<1x8192xf32, #tpu.memory_space<vmem>>, vector<1x8192xf32>
    %add3A = vector.broadcast %get3A_15 : vector<1x8192xf32> to vector<256x8192xf32>
    %add3A_16 = arith.addf %sub3A_12, %add3A : vector<256x8192xf32>
    %neg3A = arith.constant 0.000000e+00 : f32
    %neg3A_17 = vector.broadcast %neg3A : f32 to vector<256x8192xf32>
    %neg3A_18 = arith.subf %neg3A_17, %add3A_16 : vector<256x8192xf32>
    %argmax3A = tpu.reduce_index %neg3A_18 {axis = 1 : i32, kind = #tpu.reduction_kind<arg_max>} : vector<256x8192xf32> -> vector<256xi32>
    %swap3A = arith.constant 0 : index
    %swap3A_19 = arith.constant 0 : index
    %swap3A_20 = arith.constant 0 : index
    %swap3A_21 = vector.load %arg3[%swap3A, %swap3A_19, %swap3A_20] : memref<1x1x256xi32, #tpu.memory_space<vmem>>, vector<1x1x256xi32>
    %swap3A_22 = vector.shape_cast %swap3A_21 : vector<1x1x256xi32> to vector<256xi32>
    %swap3A_23 = vector.shape_cast %argmax3A : vector<256xi32> to vector<1x1x256xi32>
    tpu.vector_store %arg3[%swap3A, %swap3A_19, %swap3A_20], %swap3A_23 {strides = array<i32>} : memref<1x1x256xi32, #tpu.memory_space<vmem>>, vector<1x1x256xi32>,
    %reduce_max3A = arith.constant dense<0xFF800000> : vector<256xf32>
    %reduce_max3A_24 = vector.multi_reduction <maximumf>, %neg3A_18, %reduce_max3A [1] : vector<256x8192xf32> to vector<256xf32>
    %broadcast_in_dim3A_25 = vector.shape_cast %reduce_max3A_24 : vector<256xf32> to vector<256x1xf32>
    %get3A_26 = arith.constant 0 : index
    %get3A_27 = arith.constant 0 : index
    %get3A_28 = vector.load %arg4[%get3A_26, %get3A_27] : memref<1x1xf32, #tpu.memory_space<vmem>>, vector<1x1xf32>
    %reduce_sum3A_29 = arith.constant dense<0.000000e+00> : vector<1xf32>
    %reduce_sum3A_30 = vector.multi_reduction <add>, %broadcast_in_dim3A_25, %reduce_sum3A_29 [0] : vector<256x1xf32> to vector<1xf32>
    %broadcast_in_dim3A_31 = vector.shape_cast %reduce_sum3A_30 : vector<1xf32> to vector<1x1xf32>
    %sub3A_32 = arith.subf %get3A_28, %broadcast_in_dim3A_31 : vector<1x1xf32>
    %swap3A_33 = arith.constant 0 : index
    %swap3A_34 = arith.constant 0 : index
    %swap3A_35 = vector.load %arg4[%swap3A_33, %swap3A_34] : memref<1x1xf32, #tpu.memory_space<vmem>>, vector<1x1xf32>
    tpu.vector_store %arg4[%swap3A_33, %swap3A_34], %sub3A_32 {strides = array<i32>} : memref<1x1xf32, #tpu.memory_space<vmem>>, vector<1x1xf32>,
    return
  }
  func.func @transform_0(%arg0: i32) -> (i32, i32) {
    %c0_i32 = arith.constant 0 : i32
    %c0_i32_0 = arith.constant 0 : i32
    return %arg0, %c0_i32 : i32, i32
  }
  func.func @transform_1(%arg0: i32) -> (i32, i32) {
    %c0_i32 = arith.constant 0 : i32
    %c0_i32_0 = arith.constant 0 : i32
    %c0_i32_1 = arith.constant 0 : i32
    return %c0_i32, %c0_i32_0 : i32, i32
  }
  func.func @transform_2(%arg0: i32) -> (i32, i32, i32) {
    %c0_i32 = arith.constant 0 : i32
    %c0_i32_0 = arith.constant 0 : i32
    %c0_i32_1 = arith.constant 0 : i32
    return %arg0, %c0_i32, %c0_i32_0 : i32, i32, i32
  }
  func.func @transform_3(%arg0: i32) -> (i32, i32) {
    %c0_i32 = arith.constant 0 : i32
    %c0_i32_0 = arith.constant 0 : i32
    %c0_i32_1 = arith.constant 0 : i32
    return %c0_i32, %c0_i32_0 : i32, i32
  }
}

</mosaic_0001>

<sc_bundles>
// kernel: kernel.5.cloned.1.call-start
scs
__scs_entry_jumppad:
0x0: {  	(pc) =	sbr.rel $0x88, $3  }
0x1: {  	(tag) =	ssettag $0x0;
	lr =	simm.s32 $0x1  }
0x2: {  	[smem:$0x3F9F] =	sst lr;
	_ =	strace $0xD0000000  }
0x3: {  	_ = 	snop  }
0x4: {  	_ = 	snop  }
0x5: {  	_ = 	snop  }
0x6: {  	_ = 	snop  }
0x7: {  	_ = 	snop  }
__scs_overlays_trampoline_lowered:
0x8: {  	[smem:$0x3FAE] =	sst s0  }
0x9: {  	[smem:$0x3FAF] =	sst s1  }
0xa: {  	[smem:$0x3FB0] =	sst s2  }
0xb: {  	[smem:$0x3FB1] =	sst s3  }
0xc: {  	[smem:$0x3FB2] =	sst s4  }
0xd: {  	[smem:$0x3FB3] =	sst s5  }
0xe: {  	[smem:$0x3FB4] =	sst s6  }
0xf: {  	[smem:$0x3FB5] =	sst s7  }
0x10: {  	[smem:$0x3FB6] =	sst s8  }
0x11: {  	[smem:$0x3FB7] =	sst s9;
	s0 =	simm.s32 @!p0 $0x0  }
0x12: {  	s1 =	sld [smem:$0x3F9D];
	s0 =	simm.s32 @p0 $0x1  }
0x13: {  	[smem:$0x3FB8] =	sst s0;
	s0 =	simm.s32 @!p1 $0x0  }
0x14: {  	s2 =	sld [smem:$0x3F9C];
	s0 =	simm.s32 @p1 $0x1  }
0x15: {  	[smem:$0x3FB9] =	sst s0;
	s0 =	simm.s32 @!p2 $0x0  }
0x16: {  	s3 =	sld [smem:$0x3FDB];
	s0 =	simm.s32 @p2 $0x1  }
0x17: {  	s4 =	simm.s32 $0x1BF5;
	[smem:$0x3FBB] =	sst s0  }
0x18: {  	s0 =	sld [smem:$0x3F9E];
	_ =	swait.ge [sflag:s4], $0x0  }
0x19: {  	s7 =	sld [smem:$0x3F9F]  }
0x1a: {  	s8 =	sadd.s32 $0xFFFFE003, lr  }
0x1b: {  	s9 =	sadd.s32 $0xFFFFFEF7, lr;
	s5 =	simm.s32 $0xFFFFFFFF;
	p2 =	slt.u32 s8, $0xFFFFF086  }
0x1c: {  	p1 =	slt.u32 s9, $0xF7A;
	s5 =	simm.s32 @!p2 $0x0  }
0x1d: {  	s5 =	simm.s32 @p1 $0x1;
	p0 =	seq.s32 s7, s2  }
0x1e: {  	s7 =	smul.u32 @!p0 $0xF7A, s2;
	p2 =	seq.s32 @!p0 s5, $0x0  }
0x1f: {  	s9 =	smul.u32 $0xF7A, s1;
	s8 =	simm.s32 @!p0 $0x1BF5;
	p2 =	por !p2, p0  }
0x20: {  	[sflag:s8] =	ssyncset.s32 @!p0 $0xFFFFF086;
	s6 =	sadd.s32 @!p0 s3, s7;
	s7 =	simm.s32 @!p0 $0x108  }
0x21: {  	s3 =	sadd.s32 s3, s9;
	s6 =	sadd.s32 @!p0 $0x88, s6;
	s7 =	simm.s32 @p2 $0x1082  }
0x22: {  	[simem:s7], [sflag:s8] =	dma.local @!p0 [hbm:s6], $0xF7A  }
0x23: {  	s9 =	sor.u32 $0xD0000000, s2;
	s6 =	simm.s32 $0x108;
	_ =	swait.ge @!p0 [sflag:s8], $0x0  }
0x24: {  	s3 =	sadd.s32 $0x88, s3;
	s6 =	simm.s32 @!p1 $0x1082;
	[sflag:s4] =	ssyncset.s32 $0xFFFFF086  }
0x25: {  	[simem:s6], [sflag:s4] =	dma.local [hbm:s3], $0xF7A  }
0x26: {  	[smem:$0x3F9F] =	sst s1;
	(tag) =	ssettag s2;
	_ =	strace s9  }
0x27: {  	s1 =	sld [smem:$0x3FAF]  }
0x28: {  	s2 =	sld [smem:$0x3FB0]  }
0x29: {  	s4 =	sld [smem:$0x3FB2]  }
0x2a: {  	p0 =	seq.s32 s5, $0x0;
	s5 =	sld [smem:$0x3FB3]  }
0x2b: {  	s6 =	sld [smem:$0x3FB4]  }
0x2c: {  	s7 =	sld [smem:$0x3FB5]  }
0x2d: {  	s3 =	simm.s32 $0x108;
	s8 =	sld [smem:$0x3FB6]  }
0x2e: {  	s3 =	simm.s32 @!p0 $0x1082;
	s9 =	sld [smem:$0x3FB7]  }
0x2f: {  	lr =	sadd.s32 s0, s3;
	s0 =	sld [smem:$0x3FAE]  }
0x30: {  	s3 =	sld [smem:$0x3FB1]  }
0x31: {  	[smem:$0x3FBA] =	sst s10  }
0x32: {  	s10 =	sld [smem:$0x3FB8];
	_ =	sdelay $0x3  }
0x33: {  	p0 =	seq.s32 s10, $0x1;
	s10 =	sld [smem:$0x3FBA];
	_ =	sdelay $0x3  }
0x34: {  	[smem:$0x3FBA] =	sst s10  }
0x35: {  	s10 =	sld [smem:$0x3FB9];
	_ =	sdelay $0x3  }
0x36: {  	p1 =	seq.s32 s10, $0x1;
	s10 =	sld [smem:$0x3FBA];
	_ =	sdelay $0x3  }
0x37: {  	[smem:$0x3FBA] =	sst s10  }
0x38: {  	s10 =	sld [smem:$0x3FBB]  }
0x39: {  	_ = 	snop;
	(pc) =	sbr.ind lr, $3  }
0x3a: {  	_ = 	snop  }
0x3b: {  	_ = 	snop  }
0x3c: {  	p2 =	seq.s32 s10, $0x1;
	s10 =	sld [smem:$0x3FBA]  }
0x3d: {  	_ =	shalt  }
0x3e: {  	_ =	shalt  }
0x3f: {  	_ =	shalt  }
0x40: {  	_ =	shalt  }
0x41: {  	_ =	shalt  }
0x42: {  	_ =	shalt  }
0x43: {  	_ =	shalt  }
0x44: {  	_ =	shalt  }
0x45: {  	_ =	shalt  }
0x46: {  	_ =	shalt  }
0x47: {  	_ =	shalt  }
0x48: {  	_ =	shalt  }
0x49: {  	_ =	shalt  }
0x4a: {  	_ =	shalt  }
0x4b: {  	_ =	shalt  }
0x4c: {  	_ =	shalt  }
0x4d: {  	_ =	shalt  }
0x4e: {  	_ =	shalt  }
0x4f: {  	_ =	shalt  }
0x50: {  	_ =	shalt  }
0x51: {  	_ =	shalt  }
0x52: {  	_ =	shalt  }
0x53: {  	_ =	shalt  }
0x54: {  	_ =	shalt  }
0x55: {  	_ =	shalt  }
0x56: {  	_ =	shalt  }
0x57: {  	_ =	shalt  }
0x58: {  	_ =	shalt  }
0x59: {  	_ =	shalt  }
0x5a: {  	_ =	shalt  }
0x5b: {  	_ =	shalt  }
0x5c: {  	_ =	shalt  }
0x5d: {  	_ =	shalt  }
0x5e: {  	_ =	shalt  }
0x5f: {  	_ =	shalt  }
0x60: {  	_ =	shalt  }
0x61: {  	_ =	shalt  }
0x62: {  	_ =	shalt  }
0x63: {  	_ =	shalt  }
0x64: {  	_ =	shalt  }
0x65: {  	_ =	shalt  }
0x66: {  	_ =	shalt  }
0x67: {  	_ =	shalt  }
0x68: {  	_ =	shalt  }
0x69: {  	_ =	shalt  }
0x6a: {  	_ =	shalt  }
0x6b: {  	_ =	shalt  }
0x6c: {  	_ =	shalt  }
0x6d: {  	_ =	shalt  }
0x6e: {  	_ =	shalt  }
0x6f: {  	_ =	shalt  }
0x70: {  	_ =	shalt  }
0x71: {  	_ =	shalt  }
0x72: {  	_ =	shalt  }
0x73: {  	_ =	shalt  }
0x74: {  	_ =	shalt  }
0x75: {  	_ =	shalt  }
0x76: {  	_ =	shalt  }
0x77: {  	_ =	shalt  }
0x78: {  	_ =	shalt  }
0x79: {  	_ =	shalt  }
0x7a: {  	_ =	shalt  }
0x7b: {  	_ =	shalt  }
0x7c: {  	_ =	shalt  }
0x7d: {  	_ =	shalt  }
0x7e: {  	_ =	shalt  }
0x7f: {  	_ =	shalt  }
0x80: {  	_ =	shalt  }
0x81: {  	_ =	shalt  }
0x82: {  	_ =	shalt  }
0x83: {  	_ =	shalt  }
0x84: {  	_ =	shalt  }
0x85: {  	_ =	shalt  }
0x86: {  	_ =	shalt  }
0x87: {  	_ =	shalt  }
.Lfunc_end0:
.L_simem_size_0:
called_computation_lowered:
.L_overlay_start_0:
0x88: {  	s2 =	sld [smem:$0x3FD9]  }
0x89: {  	s3 =	sld [smem:$0x3FFE];
	_ =	sdelay $0x1  }
0x8a: {  	s1 =	srdreg.scid  }
0x8b: {  	s0 =	sand.u32 $0x1, s1  }
0x8c: {  	s14 =	sshll.u32 s0, $0xA;
	s2 =	sadd.s32 s3, s2  }
0x8d: {  	s2 =	sadd.s32 s2, s14  }
0x8e: {  	[smem:$0x3FC6] =	sst s2  }
0x8f: {  	_ = 	snop  }
0x90: {  	s2 =	sld [smem:$0x3FD0];
	_ =	sdelay $0x2  }
0x91: {  	s4 =	simm.s32 $0xA;
	s5 =	simm.s32 $0x10;
	s15 =	sld [smem:$0x3FC8]  }
0x92: {  	[smem:s5], [sflag:s4] =	dma.local [hbm:s2], $0x1  }
0x93: {  	_ =	swait.eq [sflag:s4], $0x1  }
0x94: {  	[sflag:s4] =	ssyncset.done $0x0  }
0x95: {  	s16 =	sld [smem:$0x10];
	[sflag:s4] =	ssyncadd.s32 $0xFFFFFFFF  }
0x96: {  	s17 =	sld [smem:$0x11];
	(tm) =	ssettm $0x1  }
0x97: {  	s18 =	sld [smem:$0x3FFB];
	_ =	sdelay $0x3  }
0x98: {  	_ =	strace s18  }
0x99: {  	s5 =	sld [smem:$0x3FFC];
	_ =	sdelay $0x3  }
0x9a: {  	_ =	strace s5  }
0x9b: {  	s5 =	sld [smem:$0x3FFD];
	_ =	sdelay $0x3  }
0x9c: {  	_ =	strace s5  }
0x9d: {  	_ =	strace $0x8FFFFFFF  }
0x9e: {  	s19 =	sld [smem:$0x3FDB];
	_ =	sdelay $0x1  }
0x9f: {  	s6 =	simm.s32 $_scs_section_size  }
0xa0: {  	s7 =	simm.s32 $_size__tile_overlayer_lowered;
	s8 =	simm.s32 $_tile_overlayer_lowered  }
0xa1: {  	s22 =	simm.s32 $0x1BFF;
	s21 =	sshll.u32 s8, $0x1;
	s5 =	sadd.s32 s6, s19  }
0xa2: {  	s9 =	simm.s32 $0x0;
	s20 =	sshll.u32 s7, $0x1;
	s7 =	sadd.s32 s21, s5  }
0xa3: {  	[timem:s9], [sflag:s22] =	dma.local [hbm:s7], s20  }
0xa4: {  	_ =	swait.ge [sflag:s22], s20  }
0xa5: {  	s6 =	ssub.s32 $0x0, s20;
	[sflag:s22] =	ssyncset.done $0x0  }
0xa6: {  	[sflag:s22] =	ssyncadd.s32 s6;
	_ =	sdelay $0x1  }
0xa7: {  	s23 =	simm.s32 $0x1B8B  }
0xa8: {  	_ =	swait.ge [sflag:s23], $0x1  }
0xa9: {  	[sflag:s23] =	ssyncset.done $0x0  }
0xaa: {  	s25 =	simm.s32 $0x1B8E;
	s24 =	sld [smem:$0x3FFE];
	[sflag:s23] =	ssyncadd.s32 $0xFFFFFFFF  }
0xab: {  	s26 =	simm.s32 $execute0_lowered;
	[smem:$0x3FD2] =	sst s25  }
0xac: {  	s7 =	sshll.u32 s26, $0x1;
	_ =	strace $0x80000046;
	[dreg:$0x1] =	wrdreg $0xFFFFFFFF  }
0xad: {  	s28 =	simm.s32 $_size_execute0_lowered;
	s5 =	sadd.s32 s5, s7;
	[dreg:$0x0] =	wrdreg $0x0  }
0xae: {  	s7 =	sshll.u32 s28, $0x1;
	[dreg:$0x2] =	wrdreg s5  }
0xaf: {  	[dreg:$0x3] =	wrdreg s7  }
0xb0: {  	[dreg:$0x4] =	wrdreg $0xC0  }
0xb1: {  	_ =	task [dreg:s9], $0x5FFFF  }
0xb2: {  	[dreg:$0x1] =	wrdreg $0xFFFFFFFF  }
0xb3: {  	[dreg:$0x0] =	wrdreg $0x60  }
0xb4: {  	[dreg:$0x2] =	wrdreg s15  }
0xb5: {  	[dreg:$0x3] =	wrdreg s17  }
0xb6: {  	[dreg:$0x4] =	wrdreg s16  }
0xb7: {  	[dreg:$0x5] =	wrdreg s24  }
0xb8: {  	[dreg:$0x6] =	wrdreg $0x122000  }
0xb9: {  	[dreg:$0x7] =	wrdreg $0x9  }
0xba: {  	_ =	task.clear_ibuf [dreg:s9], $0x8FFFF;
	_ =	strace $0x90000046  }
0xbb: {  	s29 =	simm.s32 $0x9;
	_ =	strace $0x80000048  }
0xbc: {  	_ =	swait.ge [sflag:s29], $0x1  }
0xbd: {  	[sflag:s29] =	ssyncadd.s32 $0xFFFFFFFF  }
0xbe: {  	_ =	strace $0x90000048  }
0xbf: {  	_ =	sfence  }
0xc0: {  	s30 =	sld [smem:$0x0];
	_ =	sdelay $0x2  }
0xc1: {  	s31 =	sshll.u32 s1, $0xD;
	s1 =	sshrl.u32 s1, $0x2  }
0xc2: {  	s3 =	sand.u32 $0x4000, s31;
	s1 =	sadd.s32 s1, s30  }
0xc3: {  	s0 =	sor.u32 s3, s0;
	s1 =	sshll.u32 s1, $0x11  }
0xc4: {  	s0 =	sor.u32 s1, s0  }
0xc5: {  	s0 =	sadd.s32 $0x8F2B, s0  }
0xc6: {  	[sflag:s0] =	ssyncadd.remote.s32 $0x1  }
0xc7: {  	_ =	sfence.sel $0xFFFF  }
0xc8: {  	[dreg:$0x0] =	wrdreg $0xFFFFFFFF;
	(pc) =	sbr.abs _section_cstart, $3  }
0xc9: {  	[dreg:$0x1] =	wrdreg $0xFFFFFFFF  }
0xca: {  	_ =	task.clear_ibuf [dreg:s9], $0x2FFFF;
	_ =	strace $0x9FFFFFFF  }
0xcb: {  	(tm) =	ssettm $0x7FFFFFFF  }
tec
execute0_lowered:
.L_overlay_start_1:
0x0: {  	(tag) =	ssettag $0x1  }
0x1: {  	s1 =	rddreg [dreg:$0x0]  }
0x2: {  	s0 =	rddreg [dreg:$0x1]  }
0x3: {  	s5 =	rddreg [dreg:$0x2]  }
0x4: {  	s4 =	rddreg [dreg:$0x3]  }
0x5: {  	s2 =	rddreg [dreg:$0x4];
	s3 =	simm.s32 $0x0;
	s6 =	srdreg.scid  }
0x6: {  	s8 =	stileid.u32;
	s21 =	simm.s32 $0x900;
	s22 =	simm.s32 $0x1100  }
0x7: {  	s28 =	simm.s32 $0x9100;
	s29 =	simm.s32 $0x9900;
	s30 =	simm.s32 $0xA100  }
0x8: {  	s31 =	simm.s32 $0xA900;
	s11 =	simm.s32 $0xC900;
	s12 =	simm.s32 $0xD100  }
0x9: {  	s13 =	simm.s32 $0xD900;
	s14 =	simm.s32 $0xE100;
	s15 =	simm.s32 $0xE900  }
0xa: {  	s16 =	simm.s32 $0xF100;
	s17 =	simm.s32 $0xF900;
	s18 =	simm.s32 $0x1  }
0xb: {  	s19 =	simm.s32 $0x10100;
	s20 =	simm.s32 $0x0;
	[smem:$0x7FF] =	sst s3  }
0xc: {  	s6 =	sand.u32 $0x1, s6;
	s10 =	sshll.u32 s8, $0x9;
	p0 =	sne.s32 s8, $0x0  }
0xd: {  	s8 =	simm.s32 $0x2;
	_ =	strace $0x80000047;
	s7 =	sshll.u32 s6, $0x4  }
0xe: {  	s9 =	ssub.s32 $0x2, s6;
	s6 =	sshll.u32 s6, $0x8;
	s7 =	sadd.s32 s7, s4  }
0xf: {  	s24 =	sshrl.u32 s9, $0x1;
	s6 =	sor.u32 s6, s10;
	s10 =	simm.s32 $0xC100  }
.Ltmp0:
0x10: {  	s9 =	ssub.s32 s9, s24;
	s25 =	sshrl.u32 s6, $0x3;
	(pc) =	sbr.rel .LBB2_1-.Ltmp0, $4  }
0x11: {  	s6 =	sshll.u32 s6, $0x5;
	s26 =	sadd.s32 $0x1600, s7;
	s24 =	simm.s32 $0x7900  }
0x12: {  	v2 =	vlaneseq.u32;
	vm0 =	vmmov $0xffff;
	s4 =	sadd.s32 s0, s25;
	s5 =	sadd.s32 s5, s6;
	[dreg:$0x6] =	wrdreg s26  }
0x13: {  	v3 =	vimm.f32 $1.000000000e+00;
	v4 =	vimm.f32 $0.0e+00;
	v1 =	vshrl.u32 v2, $0x3;
	s7 =	smax.u32 s9, $0x1;
	s9 =	simm.s32 $0x100;
	s25 =	simm.s32 $0x8100  }
0x14: {  	v0 =	vand.u32 $0x7, v2;
	v2 =	vor.u32 $0x8, v2;
	v1 =	vmul.u32 $0x8, v1;
	s26 =	simm.s32 $0x8900;
	s0 =	simm.s32 $0xB100;
	s6 =	simm.s32 $0xB900  }
.LBB2_5:
0x15: {  	[bflag:$0x0] =	sbarrier.arrive $0xFFFF  }
0x16: {  	[spmem:s2] =	stream.indirect.scatter.add.f32 [tilespmem:s19], [sflag:$0x2], $0x1, s3, s9, $0xb8;
	[tilespmem:$0x12400] =	vst v63  }
0x17: {  	_ =	swait.ge [sflag:s8], $0x100  }
0x18: {  	[sflag:s8] =	ssyncset.done $0x0  }
0x19: {  	[sflag:s8] =	ssyncadd.s32 $0xFFFFFF00  }
0x1a: {  	[bflag:$0x0] =	sbarrier.arrive $0xFFFF  }
.LBB2_6:
0x1b: {  	s20 =	sadd.s32 $0x1, s20  }
0x1c: {  	p1 =	sne.s32 s20, s7  }
.Ltmp1:
0x1d: {  	_ = 	snop;
	(pc) =	sbr.rel @!p1 .LBB2_7-.Ltmp1, $1  }
0x1e: {  	_ =	sdelay $0x3  }
.LBB2_1:
0x1f: {  	[tilespmem:s3], [sflag:$0x2] =	stream.linear.gather [hbm4b:s4+s3], $0x100, $0x38;
	[tilespmem:$0x12400] =	vst v63  }
0x20: {  	_ =	swait.ge [sflag:s8], $0x100  }
0x21: {  	[sflag:s8] =	ssyncset.done $0x0  }
0x22: {  	[sflag:s8] =	ssyncadd.s32 $0xFFFFFF00  }
0x23: {  	v5 =	vld [tilespmem:$0x0];
	_ =	sdelay $0x4  }
0x24: {  	v6 =	vshll.u32 v5, $0x1  }
0x25: {  	v5 =	vand.u32 $0x7, v5;
	v6 =	vand.u32 $0xFFFFFFF0, v6  }
0x26: {  	v5 =	vor.u32 v5, v6  }
0x27: {  	v6 =	vperm.xlane v5, v0;
	_ =	sdelay $0x1  }
0x28: {  	v5 =	vperm.xlane v5, v2;
	v6 =	vadd.s32 v1, v6;
	_ =	sdelay $0x1  }
0x29: {  	v5 =	vadd.s32 v1, v5;
	_ =	sdelay $0x2  }
0x2a: {  	[tilespmem:s9], [sflag:$0x1] =	stream.indirect_vreg.gather [hbm4b:s1+s3], $0x80, v6, vm0, $0xb8;
	[tilespmem:$0x12400] =	vst v63  }
0x2b: {  	_ = 	snop  }
0x2c: {  	[tilespmem:s21], [sflag:$0x1] =	stream.indirect_vreg.gather [hbm4b:s1+s3], $0x80, v5, vm0, $0xb8;
	[tilespmem:$0x12400] =	vst v63  }
0x2d: {  	v5 =	vld [tilespmem:$0x10];
	_ =	sdelay $0x4  }
0x2e: {  	v6 =	vshll.u32 v5, $0x1  }
0x2f: {  	v5 =	vand.u32 $0x7, v5;
	v6 =	vand.u32 $0xFFFFFFF0, v6  }
0x30: {  	v5 =	vor.u32 v5, v6  }
0x31: {  	v6 =	vperm.xlane v5, v0;
	_ =	sdelay $0x1  }
0x32: {  	v5 =	vperm.xlane v5, v2;
	v6 =	vadd.s32 v1, v6;
	_ =	sdelay $0x1  }
0x33: {  	v5 =	vadd.s32 v1, v5;
	_ =	sdelay $0x2  }
0x34: {  	[tilespmem:s22], [sflag:$0x1] =	stream.indirect_vreg.gather [hbm4b:s1+s3], $0x80, v6, vm0, $0xb8;
	[tilespmem:$0x12400] =	vst v63  }
0x35: {  	s23 =	simm.s32 $0x1900  }
0x36: {  	[tilespmem:s23], [sflag:$0x1] =	stream.indirect_vreg.gather [hbm4b:s1+s3], $0x80, v5, vm0, $0xb8;
	[tilespmem:$0x12400] =	vst v63  }
0x37: {  	v5 =	vld [tilespmem:$0x20];
	_ =	sdelay $0x4  }
0x38: {  	v6 =	vshll.u32 v5, $0x1  }
0x39: {  	v5 =	vand.u32 $0x7, v5;
	v6 =	vand.u32 $0xFFFFFFF0, v6  }
0x3a: {  	v5 =	vor.u32 v5, v6  }
0x3b: {  	v6 =	vperm.xlane v5, v0;
	_ =	sdelay $0x1  }
0x3c: {  	v5 =	vperm.xlane v5, v2;
	v6 =	vadd.s32 v1, v6;
	_ =	sdelay $0x1  }
0x3d: {  	v5 =	vadd.s32 v1, v5;
	_ =	sdelay $0x1  }
0x3e: {  	s23 =	simm.s32 $0x2100  }
0x3f: {  	[tilespmem:s23], [sflag:$0x1] =	stream.indirect_vreg.gather [hbm4b:s1+s3], $0x80, v6, vm0, $0xb8;
	[tilespmem:$0x12400] =	vst v63  }
0x40: {  	s23 =	simm.s32 $0x2900  }
0x41: {  	[tilespmem:s23], [sflag:$0x1] =	stream.indirect_vreg.gather [hbm4b:s1+s3], $0x80, v5, vm0, $0xb8;
	[tilespmem:$0x12400] =	vst v63  }
0x42: {  	v5 =	vld [tilespmem:$0x30];
	_ =	sdelay $0x4  }
0x43: {  	v6 =	vshll.u32 v5, $0x1  }
0x44: {  	v5 =	vand.u32 $0x7, v5;
	v6 =	vand.u32 $0xFFFFFFF0, v6  }
0x45: {  	v5 =	vor.u32 v5, v6  }
0x46: {  	v6 =	vperm.xlane v5, v0;
	_ =	sdelay $0x1  }
0x47: {  	v5 =	vperm.xlane v5, v2;
	v6 =	vadd.s32 v1, v6;
	_ =	sdelay $0x1  }
0x48: {  	v5 =	vadd.s32 v1, v5;
	_ =	sdelay $0x1  }
0x49: {  	s23 =	simm.s32 $0x3100  }
0x4a: {  	[tilespmem:s23], [sflag:$0x1] =	stream.indirect_vreg.gather [hbm4b:s1+s3], $0x80, v6, vm0, $0xb8;
	[tilespmem:$0x12400] =	vst v63  }
0x4b: {  	s23 =	simm.s32 $0x3900  }
0x4c: {  	[tilespmem:s23], [sflag:$0x1] =	stream.indirect_vreg.gather [hbm4b:s1+s3], $0x80, v5, vm0, $0xb8;
	[tilespmem:$0x12400] =	vst v63  }
0x4d: {  	v5 =	vld [tilespmem:$0x40];
	_ =	sdelay $0x4  }
0x4e: {  	v6 =	vshll.u32 v5, $0x1  }
0x4f: {  	v5 =	vand.u32 $0x7, v5;
	v6 =	vand.u32 $0xFFFFFFF0, v6  }
0x50: {  	v5 =	vor.u32 v5, v6  }
0x51: {  	v6 =	vperm.xlane v5, v0;
	_ =	sdelay $0x1  }
0x52: {  	v5 =	vperm.xlane v5, v2;
	v6 =	vadd.s32 v1, v6;
	_ =	sdelay $0x1  }
0x53: {  	v5 =	vadd.s32 v1, v5;
	_ =	sdelay $0x1  }
0x54: {  	s23 =	simm.s32 $0x4100  }
0x55: {  	[tilespmem:s23], [sflag:$0x1] =	stream.indirect_vreg.gather [hbm4b:s1+s3], $0x80, v6, vm0, $0xb8;
	[tilespmem:$0x12400] =	vst v63  }
0x56: {  	s23 =	simm.s32 $0x4900  }
0x57: {  	[tilespmem:s23], [sflag:$0x1] =	stream.indirect_vreg.gather [hbm4b:s1+s3], $0x80, v5, vm0, $0xb8;
	[tilespmem:$0x12400] =	vst v63  }
0x58: {  	v5 =	vld [tilespmem:$0x50];
	_ =	sdelay $0x4  }
0x59: {  	v6 =	vshll.u32 v5, $0x1  }
0x5a: {  	v5 =	vand.u32 $0x7, v5;
	v6 =	vand.u32 $0xFFFFFFF0, v6  }
0x5b: {  	v5 =	vor.u32 v5, v6  }
0x5c: {  	v6 =	vperm.xlane v5, v0;
	_ =	sdelay $0x1  }
0x5d: {  	v5 =	vperm.xlane v5, v2;
	v6 =	vadd.s32 v1, v6;
	_ =	sdelay $0x1  }
0x5e: {  	v5 =	vadd.s32 v1, v5;
	_ =	sdelay $0x1  }
0x5f: {  	s23 =	simm.s32 $0x5100  }
0x60: {  	[tilespmem:s23], [sflag:$0x1] =	stream.indirect_vreg.gather [hbm4b:s1+s3], $0x80, v6, vm0, $0xb8;
	[tilespmem:$0x12400] =	vst v63  }
0x61: {  	s23 =	simm.s32 $0x5900  }
0x62: {  	[tilespmem:s23], [sflag:$0x1] =	stream.indirect_vreg.gather [hbm4b:s1+s3], $0x80, v5, vm0, $0xb8;
	[tilespmem:$0x12400] =	vst v63  }
0x63: {  	v5 =	vld [tilespmem:$0x60];
	_ =	sdelay $0x4  }
0x64: {  	v6 =	vshll.u32 v5, $0x1  }
0x65: {  	v5 =	vand.u32 $0x7, v5;
	v6 =	vand.u32 $0xFFFFFFF0, v6  }
0x66: {  	v5 =	vor.u32 v5, v6  }
0x67: {  	v6 =	vperm.xlane v5, v0;
	_ =	sdelay $0x1  }
0x68: {  	v5 =	vperm.xlane v5, v2;
	v6 =	vadd.s32 v1, v6;
	_ =	sdelay $0x1  }
0x69: {  	v5 =	vadd.s32 v1, v5;
	_ =	sdelay $0x1  }
0x6a: {  	s23 =	simm.s32 $0x6100  }
0x6b: {  	[tilespmem:s23], [sflag:$0x1] =	stream.indirect_vreg.gather [hbm4b:s1+s3], $0x80, v6, vm0, $0xb8;
	[tilespmem:$0x12400] =	vst v63  }
0x6c: {  	s23 =	simm.s32 $0x6900  }
0x6d: {  	[tilespmem:s23], [sflag:$0x1] =	stream.indirect_vreg.gather [hbm4b:s1+s3], $0x80, v5, vm0, $0xb8;
	[tilespmem:$0x12400] =	vst v63  }
0x6e: {  	v5 =	vld [tilespmem:$0x70];
	_ =	sdelay $0x4  }
0x6f: {  	v6 =	vshll.u32 v5, $0x1  }
0x70: {  	v5 =	vand.u32 $0x7, v5;
	v6 =	vand.u32 $0xFFFFFFF0, v6  }
0x71: {  	v5 =	vor.u32 v5, v6  }
0x72: {  	v6 =	vperm.xlane v5, v0;
	_ =	sdelay $0x1  }
0x73: {  	v5 =	vperm.xlane v5, v2;
	v6 =	vadd.s32 v1, v6;
	_ =	sdelay $0x1  }
0x74: {  	v5 =	vadd.s32 v1, v5;
	_ =	sdelay $0x1  }
0x75: {  	s23 =	simm.s32 $0x7100  }
0x76: {  	[tilespmem:s23], [sflag:$0x1] =	stream.indirect_vreg.gather [hbm4b:s1+s3], $0x80, v6, vm0, $0xb8;
	[tilespmem:$0x12400] =	vst v63  }
0x77: {  	_ = 	snop  }
0x78: {  	[tilespmem:s24], [sflag:$0x1] =	stream.indirect_vreg.gather [hbm4b:s1+s3], $0x80, v5, vm0, $0xb8;
	[tilespmem:$0x12400] =	vst v63  }
0x79: {  	v5 =	vld [tilespmem:$0x80];
	_ =	sdelay $0x4  }
0x7a: {  	v6 =	vshll.u32 v5, $0x1  }
0x7b: {  	v5 =	vand.u32 $0x7, v5;
	v6 =	vand.u32 $0xFFFFFFF0, v6  }
0x7c: {  	v5 =	vor.u32 v5, v6  }
0x7d: {  	v6 =	vperm.xlane v5, v0;
	_ =	sdelay $0x1  }
0x7e: {  	v5 =	vperm.xlane v5, v2;
	v6 =	vadd.s32 v1, v6;
	_ =	sdelay $0x1  }
0x7f: {  	v5 =	vadd.s32 v1, v5;
	_ =	sdelay $0x2  }
0x80: {  	[tilespmem:s25], [sflag:$0x1] =	stream.indirect_vreg.gather [hbm4b:s1+s3], $0x80, v6, vm0, $0xb8;
	[tilespmem:$0x12400] =	vst v63  }
0x81: {  	_ = 	snop  }
0x82: {  	[tilespmem:s26], [sflag:$0x1] =	stream.indirect_vreg.gather [hbm4b:s1+s3], $0x80, v5, vm0, $0xb8;
	[tilespmem:$0x12400] =	vst v63  }
0x83: {  	v5 =	vld [tilespmem:$0x90];
	_ =	sdelay $0x4  }
0x84: {  	v6 =	vshll.u32 v5, $0x1  }
0x85: {  	v5 =	vand.u32 $0x7, v5;
	v6 =	vand.u32 $0xFFFFFFF0, v6  }
0x86: {  	v5 =	vor.u32 v5, v6  }
0x87: {  	v6 =	vperm.xlane v5, v0;
	_ =	sdelay $0x1  }
0x88: {  	v5 =	vperm.xlane v5, v2;
	v6 =	vadd.s32 v1, v6;
	_ =	sdelay $0x1  }
0x89: {  	v5 =	vadd.s32 v1, v5;
	_ =	sdelay $0x2  }
0x8a: {  	[tilespmem:s28], [sflag:$0x1] =	stream.indirect_vreg.gather [hbm4b:s1+s3], $0x80, v6, vm0, $0xb8;
	[tilespmem:$0x12400] =	vst v63  }
0x8b: {  	_ = 	snop  }
0x8c: {  	[tilespmem:s29], [sflag:$0x1] =	stream.indirect_vreg.gather [hbm4b:s1+s3], $0x80, v5, vm0, $0xb8;
	[tilespmem:$0x12400] =	vst v63  }
0x8d: {  	v5 =	vld [tilespmem:$0xA0];
	_ =	sdelay $0x4  }
0x8e: {  	v6 =	vshll.u32 v5, $0x1  }
0x8f: {  	v5 =	vand.u32 $0x7, v5;
	v6 =	vand.u32 $0xFFFFFFF0, v6  }
0x90: {  	v5 =	vor.u32 v5, v6  }
0x91: {  	v6 =	vperm.xlane v5, v0;
	_ =	sdelay $0x1  }
0x92: {  	v5 =	vperm.xlane v5, v2;
	v6 =	vadd.s32 v1, v6;
	_ =	sdelay $0x1  }
0x93: {  	v5 =	vadd.s32 v1, v5;
	_ =	sdelay $0x2  }
0x94: {  	[tilespmem:s30], [sflag:$0x1] =	stream.indirect_vreg.gather [hbm4b:s1+s3], $0x80, v6, vm0, $0xb8;
	[tilespmem:$0x12400] =	vst v63  }
0x95: {  	_ = 	snop  }
0x96: {  	[tilespmem:s31], [sflag:$0x1] =	stream.indirect_vreg.gather [hbm4b:s1+s3], $0x80, v5, vm0, $0xb8;
	[tilespmem:$0x12400] =	vst v63  }
0x97: {  	v5 =	vld [tilespmem:$0xB0];
	_ =	sdelay $0x4  }
0x98: {  	v6 =	vshll.u32 v5, $0x1  }
0x99: {  	v5 =	vand.u32 $0x7, v5;
	v6 =	vand.u32 $0xFFFFFFF0, v6  }
0x9a: {  	v5 =	vor.u32 v5, v6  }
0x9b: {  	v6 =	vperm.xlane v5, v0;
	_ =	sdelay $0x1  }
0x9c: {  	v5 =	vperm.xlane v5, v2;
	v6 =	vadd.s32 v1, v6;
	_ =	sdelay $0x1  }
0x9d: {  	v5 =	vadd.s32 v1, v5;
	_ =	sdelay $0x2  }
0x9e: {  	[tilespmem:s0], [sflag:$0x1] =	stream.indirect_vreg.gather [hbm4b:s1+s3], $0x80, v6, vm0, $0xb8;
	[tilespmem:$0x12400] =	vst v63  }
0x9f: {  	_ = 	snop  }
0xa0: {  	[tilespmem:s6], [sflag:$0x1] =	stream.indirect_vreg.gather [hbm4b:s1+s3], $0x80, v5, vm0, $0xb8;
	[tilespmem:$0x12400] =	vst v63  }
0xa1: {  	v5 =	vld [tilespmem:$0xC0];
	_ =	sdelay $0x4  }
0xa2: {  	v6 =	vshll.u32 v5, $0x1  }
0xa3: {  	v5 =	vand.u32 $0x7, v5;
	v6 =	vand.u32 $0xFFFFFFF0, v6  }
0xa4: {  	v5 =	vor.u32 v5, v6  }
0xa5: {  	v6 =	vperm.xlane v5, v0;
	_ =	sdelay $0x1  }
0xa6: {  	v5 =	vperm.xlane v5, v2;
	v6 =	vadd.s32 v1, v6;
	_ =	sdelay $0x1  }
0xa7: {  	v5 =	vadd.s32 v1, v5;
	_ =	sdelay $0x2  }
0xa8: {  	[tilespmem:s10], [sflag:$0x1] =	stream.indirect_vreg.gather [hbm4b:s1+s3], $0x80, v6, vm0, $0xb8;
	[tilespmem:$0x12400] =	vst v63  }
0xa9: {  	_ = 	snop  }
0xaa: {  	[tilespmem:s11], [sflag:$0x1] =	stream.indirect_vreg.gather [hbm4b:s1+s3], $0x80, v5, vm0, $0xb8;
	[tilespmem:$0x12400] =	vst v63  }
0xab: {  	v5 =	vld [tilespmem:$0xD0];
	_ =	sdelay $0x4  }
0xac: {  	v6 =	vshll.u32 v5, $0x1  }
0xad: {  	v5 =	vand.u32 $0x7, v5;
	v6 =	vand.u32 $0xFFFFFFF0, v6  }
0xae: {  	v5 =	vor.u32 v5, v6  }
0xaf: {  	v6 =	vperm.xlane v5, v0;
	_ =	sdelay $0x1  }
0xb0: {  	v5 =	vperm.xlane v5, v2;
	v6 =	vadd.s32 v1, v6;
	_ =	sdelay $0x1  }
0xb1: {  	v5 =	vadd.s32 v1, v5;
	_ =	sdelay $0x2  }
0xb2: {  	[tilespmem:s12], [sflag:$0x1] =	stream.indirect_vreg.gather [hbm4b:s1+s3], $0x80, v6, vm0, $0xb8;
	[tilespmem:$0x12400] =	vst v63  }
0xb3: {  	_ = 	snop  }
0xb4: {  	[tilespmem:s13], [sflag:$0x1] =	stream.indirect_vreg.gather [hbm4b:s1+s3], $0x80, v5, vm0, $0xb8;
	[tilespmem:$0x12400] =	vst v63  }
0xb5: {  	v5 =	vld [tilespmem:$0xE0];
	_ =	sdelay $0x4  }
0xb6: {  	v6 =	vshll.u32 v5, $0x1  }
0xb7: {  	v5 =	vand.u32 $0x7, v5;
	v6 =	vand.u32 $0xFFFFFFF0, v6  }
0xb8: {  	v5 =	vor.u32 v5, v6  }
0xb9: {  	v6 =	vperm.xlane v5, v0;
	_ =	sdelay $0x1  }
0xba: {  	v5 =	vperm.xlane v5, v2;
	v6 =	vadd.s32 v1, v6;
	_ =	sdelay $0x1  }
0xbb: {  	v5 =	vadd.s32 v1, v5;
	_ =	sdelay $0x2  }
0xbc: {  	[tilespmem:s14], [sflag:$0x1] =	stream.indirect_vreg.gather [hbm4b:s1+s3], $0x80, v6, vm0, $0xb8;
	[tilespmem:$0x12400] =	vst v63  }
0xbd: {  	_ = 	snop  }
0xbe: {  	[tilespmem:s15], [sflag:$0x1] =	stream.indirect_vreg.gather [hbm4b:s1+s3], $0x80, v5, vm0, $0xb8;
	[tilespmem:$0x12400] =	vst v63  }
0xbf: {  	v5 =	vld [tilespmem:$0xF0];
	_ =	sdelay $0x4  }
0xc0: {  	v6 =	vshll.u32 v5, $0x1  }
0xc1: {  	v5 =	vand.u32 $0x7, v5;
	v6 =	vand.u32 $0xFFFFFFF0, v6  }
0xc2: {  	v5 =	vor.u32 v5, v6  }
0xc3: {  	v6 =	vperm.xlane v5, v0;
	_ =	sdelay $0x1  }
0xc4: {  	v5 =	vperm.xlane v5, v2;
	v6 =	vadd.s32 v1, v6;
	_ =	sdelay $0x1  }
0xc5: {  	v5 =	vadd.s32 v1, v5;
	_ =	sdelay $0x2  }
0xc6: {  	[tilespmem:s16], [sflag:$0x1] =	stream.indirect_vreg.gather [hbm4b:s1+s3], $0x80, v6, vm0, $0xb8;
	[tilespmem:$0x12400] =	vst v63  }
0xc7: {  	_ = 	snop  }
0xc8: {  	[tilespmem:s17], [sflag:$0x1] =	stream.indirect_vreg.gather [hbm4b:s1+s3], $0x80, v5, vm0, $0xb8;
	[tilespmem:$0x12400] =	vst v63  }
0xc9: {  	_ =	swait.ge [sflag:s18], $0x10000  }
0xca: {  	[sflag:s18] =	ssyncset.done $0x0  }
0xcb: {  	[sflag:s18] =	ssyncadd.s32 $0xFFFF0000  }
0xcc: {  	[hbm4b:s5+s3] =	stream.linear.scatter [tilespmem:s9], [sflag:$0x2], $0x10000, $0x38;
	[tilespmem:$0x12400] =	vst v63  }
0xcd: {  	_ =	swait.ge [sflag:s8], $0x10000  }
0xce: {  	[sflag:s8] =	ssyncset.done $0x0  }
0xcf: {  	[sflag:s8] =	ssyncadd.s32 $0xFFFF0000  }
0xd0: {  	[tilespmem:$0x10100] =	vst v3  }
0xd1: {  	[tilespmem:$0x10110] =	vst v3  }
0xd2: {  	[tilespmem:$0x10120] =	vst v3  }
0xd3: {  	[tilespmem:$0x10130] =	vst v3  }
0xd4: {  	[tilespmem:$0x10140] =	vst v3  }
0xd5: {  	[tilespmem:$0x10150] =	vst v3  }
0xd6: {  	[tilespmem:$0x10160] =	vst v3  }
0xd7: {  	[tilespmem:$0x10170] =	vst v3  }
0xd8: {  	[tilespmem:$0x10180] =	vst v3  }
0xd9: {  	[tilespmem:$0x10190] =	vst v3  }
0xda: {  	[tilespmem:$0x101A0] =	vst v3  }
.Ltmp2:
0xdb: {  	[tilespmem:$0x101B0] =	vst v3;
	(pc) =	sbr.rel @p0 .LBB2_5-.Ltmp2, $4  }
0xdc: {  	[tilespmem:$0x101C0] =	vst v3  }
0xdd: {  	[tilespmem:$0x101D0] =	vst v3  }
0xde: {  	[tilespmem:$0x101E0] =	vst v3  }
0xdf: {  	[tilespmem:$0x101F0] =	vst v3  }
0xe0: {  	s21 =	simm.s32 $0x40;
	s22 =	simm.s32 $0x0  }
.LBB2_3:
0xe1: {  	p1 =	sne.s32 s21, $0x7FC0;
	[tilespmem:s22+$0x10200] =	vst v4;
	s22 =	smov.u32 s21;
	s21 =	sadd.s32 $0x40, s21  }
.Ltmp3:
0xe2: {  	(pc) =	sbr.rel @p1 .LBB2_3-.Ltmp3, $2  }
0xe3: {  	_ =	sdelay $0x2  }
0xe4: {  	s22 =	sshra.s32 s22, $0x2  }
0xe5: {  	[tilespmem:s22+$0x10200] =	vst v4;
	s21 =	simm.s32 $0x10200  }
0xe6: {  	[spmem:s2] =	stream.linear.scatter [tilespmem:s21], [sflag:$0x2], $0x2000, $0x38;
	[tilespmem:$0x12400] =	vst v63  }
0xe7: {  	_ =	swait.ge [sflag:s8], $0x2000  }
0xe8: {  	[sflag:s8] =	ssyncset.done $0x0  }
0xe9: {  	[sflag:s8] =	ssyncadd.s32 $0xFFFFE000  }
0xea: {  	[bflag:$0x0] =	sbarrier.arrive $0xFFFF  }
0xeb: {  	[spmem:s2] =	stream.indirect.scatter.add.f32 [tilespmem:s19], [sflag:$0x2], $0x1, s3, s9, $0xb8;
	[tilespmem:$0x12400] =	vst v63  }
0xec: {  	_ =	swait.ge [sflag:s8], $0x100  }
0xed: {  	[sflag:s8] =	ssyncset.done $0x0  }
0xee: {  	s23 =	simm.s32 $0x20;
	[sflag:s8] =	ssyncadd.s32 $0xFFFFFF00  }
0xef: {  	s24 =	simm.s32 $0x10;
	s25 =	simm.s32 $0x1C02;
	[bflag:$0x0] =	sbarrier.arrive $0xFFFF  }
.Ltmp4:
0xf0: {  	s21 =	sshrl.u32 s2, $0x3;
	s22 =	rddreg [dreg:$0x6];
	(pc) =	sbr.rel .LBB2_6-.Ltmp4, $4  }
0xf1: {  	[hbm:s22@s23], [sflag:s25] =	dma.strided [spmem:s21@s24], $0x400, s18, $0x10   }
0xf2: {  	_ =	swait.ge [sflag:s8], $0x400  }
0xf3: {  	s21 =	simm.s32 $0x900;
	s22 =	simm.s32 $0x1100;
	[sflag:s8] =	ssyncset.done $0x0  }
0xf4: {  	s24 =	simm.s32 $0x7900;
	s25 =	simm.s32 $0x8100;
	[sflag:s8] =	ssyncadd.s32 $0xFFFFFC00  }
.LBB2_7:
0xf5: {  	_ =	sfence.sel $0x180000  }
0xf6: {  	[bflag:$0x0] =	sbarrier.arrive $0xFFFF  }
0xf7: {  	_ =	strace $0x90000047  }
0xf8: {  	[bflag:$0x2] =	sbarrier.arrive $0xFFFF  }
0xf9: {  	s0 =	rddreg [dreg:$0x5]  }
0xfa: {  	s0 =	sadd.s32 @!p0 $0x100000, s0  }
0xfb: {  	[sflag:s0] =	ssyncadd.tile.s32 @!p0 $0x1;
	_ =	shalt  }
.Lfunc_end2:
_tile_overlayer_lowered:
.L_overlay_start_2:
0xfc: {  	(tag) =	ssettag $0x2  }
0xfd: {  	s0 =	rddreg [dreg:$0x0];
	s2 =	stileid.u32  }
0xfe: {  	s1 =	rddreg [dreg:$0x1];
	p0 =	sne.s32 s2, $0x0  }
0xff: {  	s3 =	rddreg [dreg:$0x2];
	[bflag:$0x3] =	sbarrier.arrive $0xFFFF;
	s2 =	simm.s32 @!p0 $0x1C02  }
0x100: {  	[timem:s3], [sflag:s2] =	dma.local @!p0 [hbm:s0], s1  }
0x101: {  	s0 =	simm.s32 @!p0 $0x2  }
0x102: {  	_ =	swait.ge @!p0 [sflag:s0], s1  }
0x103: {  	s1 =	ssub.s32 @!p0 $0x0, s1;
	[sflag:s0] =	ssyncset.done @!p0 $0x0  }
0x104: {  	[sflag:s0] =	ssyncadd.s32 @!p0 s1  }
0x105: {  	[bflag:$0x3] =	sbarrier.arrive $0xFFFF  }
0x106: {  	_ =	shalt  }

</sc_bundles>
